<compile_context>
chip_gen: v7x
topology: tpu7x:2x2x1
jax: 0.10.2.dev20260603
libtpu: 0.0.44.dev20260713+nightly
codegen_flags: <defaults>
</compile_context>

<pallas_src>
import jax
import jax.numpy as jnp
from jax import lax
from jax.experimental import pallas as pl
from jax.experimental.pallas import tpu as pltpu
from jax.experimental.pallas import tpu_sc as plsc

VARIANCE_FOCUS = 0.85
LN2 = 0.6931471805599453
SQRT2 = 1.4142135623730951

_N = 16 * 512 * 512
_COLS = 512
_ROWS = _N // _COLS

_NW = 32
_SC_ROWS_PER_W = 32
_SC_ROWS = _NW * _SC_ROWS_PER_W
_TC_ROWS = _ROWS - _SC_ROWS
_TC_GRID = 4
_TC_BLK = _TC_ROWS // _TC_GRID

_VPW = _SC_ROWS_PER_W * _COLS // 16


def _tc_body(est_ref, gt_ref, part_ref, acc_ref):
    i = pl.program_id(0)

    @pl.when(i == 0)
    def _init():
        acc_ref[0] = 0.0
        acc_ref[1] = 0.0
        acc_ref[2] = 0.0

    est = est_ref[...]
    gt = gt_ref[...]
    mask = gt > 1.0
    d = jnp.where(
        mask,
        jnp.log(jnp.where(mask, est, 1.0)) - jnp.log(jnp.where(mask, gt, 1.0)),
        0.0,
    )
    acc_ref[0] += jnp.sum(d)
    acc_ref[1] += jnp.sum(d * d)
    acc_ref[2] += jnp.sum(mask.astype(jnp.float32))

    @pl.when(i == _TC_GRID - 1)
    def _fin():
        part_ref[0] = acc_ref[0]
        part_ref[1] = acc_ref[1]
        part_ref[2] = acc_ref[2]


def _fast_log(x):
    bits = lax.bitcast_convert_type(x, jnp.int32)
    e = lax.shift_right_logical(bits, 23) - 127
    mbits = lax.bitwise_or(
        lax.bitwise_and(bits, jnp.int32(0x7FFFFF)), jnp.int32(0x3F800000)
    )
    m = lax.bitcast_convert_type(mbits, jnp.float32)
    big = m > SQRT2
    m = jnp.where(big, m * 0.5, m)
    e = jnp.where(big, e + 1, e)
    ef = e.astype(jnp.float32)
    s = (m - 1.0) / (m + 1.0)
    z = s * s
    p = jnp.float32(1.0 / 9.0)
    p = p * z + jnp.float32(1.0 / 7.0)
    p = p * z + jnp.float32(1.0 / 5.0)
    p = p * z + jnp.float32(1.0 / 3.0)
    p = p * z + 1.0
    return ef * LN2 + 2.0 * s * p


def _sc_body(est_hbm, gt_hbm, part_hbm, est_v, gt_v, out_v, sem):
    wid = lax.axis_index("c") * 16 + lax.axis_index("s")
    base_row = _TC_ROWS + wid * _SC_ROWS_PER_W
    pltpu.sync_copy(est_hbm.at[pl.ds(base_row, _SC_ROWS_PER_W), :], est_v)
    pltpu.sync_copy(gt_hbm.at[pl.ds(base_row, _SC_ROWS_PER_W), :], gt_v)

    def vec_step(i, accs):
        acc_d, acc_d2, acc_n = accs
        r = lax.shift_right_logical(i, 5)
        c = pl.multiple_of(lax.shift_left(lax.bitwise_and(i, 31), 4), 16)
        est = est_v[r, pl.ds(c, 16)]
        gt = gt_v[r, pl.ds(c, 16)]
        mask = gt > 1.0
        d = est - gt
        acc_d = acc_d + d
        acc_d2 = acc_d2 + d * d
        acc_n = acc_n + jnp.where(mask, 1.0, 0.0)
        return (acc_d, acc_d2, acc_n)

    zero = jnp.zeros((16,), jnp.float32)
    acc_d, acc_d2, acc_n = lax.fori_loop(0, _VPW, vec_step, (zero, zero, zero))
    out_v[pl.ds(0, 16)] = acc_d
    out_v[pl.ds(16, 16)] = acc_d2
    out_v[pl.ds(32, 16)] = acc_n
    pltpu.sync_copy(out_v, part_hbm.at[wid])


def _combine_body(tc_ref, sc_ref, out_ref):
    p = sc_ref[...]
    sd = tc_ref[0] + jnp.sum(p[:, 0:16])
    sd2 = tc_ref[1] + jnp.sum(p[:, 16:32])
    n = tc_ref[2] + jnp.sum(p[:, 32:48])
    mean_d = sd / n
    mean_d2 = sd2 / n
    out_ref[0] = jnp.sqrt(mean_d2 - VARIANCE_FOCUS * mean_d * mean_d) * 10.0


def kernel(depth_est, depth_gt):
    est2d = depth_est.reshape(_ROWS, _COLS)
    gt2d = depth_gt.reshape(_ROWS, _COLS)

    mesh = plsc.VectorSubcoreMesh(core_axis_name="c", subcore_axis_name="s")
    sc_part = pl.kernel(
        _sc_body,
        mesh=mesh,
        out_type=jax.ShapeDtypeStruct((_NW, 48), jnp.float32),
        scratch_types=[
            pltpu.VMEM((_SC_ROWS_PER_W, _COLS), jnp.float32),
            pltpu.VMEM((_SC_ROWS_PER_W, _COLS), jnp.float32),
            pltpu.VMEM((48,), jnp.float32),
            pltpu.SemaphoreType.DMA,
        ],
        compiler_params=pltpu.CompilerParams(
            use_tc_tiling_on_sc=True, skip_device_barrier=True
        ),
        cost_estimate=pl.CostEstimate(
            flops=20 * _SC_ROWS * _COLS,
            bytes_accessed=2 * 4 * _SC_ROWS * _COLS,
            transcendentals=0,
        ),
    )(est2d, gt2d)

    tc_part = pl.pallas_call(
        _tc_body,
        grid=(_TC_GRID,),
        in_specs=[
            pl.BlockSpec((_TC_BLK, _COLS), lambda i: (i, 0)),
            pl.BlockSpec((_TC_BLK, _COLS), lambda i: (i, 0)),
        ],
        out_specs=pl.BlockSpec(memory_space=pltpu.SMEM),
        out_shape=jax.ShapeDtypeStruct((3,), jnp.float32),
        scratch_shapes=[pltpu.SMEM((3,), jnp.float32)],
    )(est2d, gt2d)

    out = pl.pallas_call(
        _combine_body,
        in_specs=[
            pl.BlockSpec(memory_space=pltpu.SMEM),
            pl.BlockSpec((_NW, 48), lambda: (0, 0)),
        ],
        out_specs=pl.BlockSpec(memory_space=pltpu.SMEM),
        out_shape=jax.ShapeDtypeStruct((1,), jnp.float32),
    )(tc_part, sc_part)
    return out[0]

# --- scband reference (transcript-rebuilt; emitter-appended) ---
"""Pipeline reference for scband-silog-loss-40733469835525 (READ-ONLY COPY).

The authoritative reference and input builder live on the scoring server;
editing this copy changes nothing except your own understanding.
"""

import jax, jax.numpy as jnp
import numpy as np

VARIANCE_FOCUS = 0.85

def setup_inputs(seed: int = 0) -> dict:
    key = jax.random.key(seed)
    k1, k2 = jax.random.split(key)
    shape = (16, 1, 512, 512)
    # depths must be positive; scale uniforms so depth_gt > 1.0 for ~90% of pixels
    depth_est = jax.random.uniform(k1, shape, dtype=jnp.float32) * 9.9 + 0.1
    depth_gt = jax.random.uniform(k2, shape, dtype=jnp.float32) * 10.0
    return {"depth_est": depth_est, "depth_gt": depth_gt}

def reference(depth_est, depth_gt):
    mask = depth_gt > 1.0
    # masked log-difference; safe log (args forced to 1.0 where unmasked) to avoid NaNs
    d = jnp.where(
        mask,
        jnp.log(jnp.where(mask, depth_est, 1.0)) - jnp.log(jnp.where(mask, depth_gt, 1.0)),
        0.0,
    )
    n = jnp.sum(mask).astype(jnp.float32)
    mean_d2 = jnp.sum(d * d) / n
    mean_d = jnp.sum(d) / n
    return jnp.sqrt(mean_d2 - VARIANCE_FOCUS * mean_d ** 2) * 10.0

if __name__ == "__main__":
    import jax
    _d = setup_inputs()
    print(jax.jit(kernel)(*tuple(_d.values())))

</pallas_src>

<mosaic_0001>
#map = affine_map<(d0, d1) -> (0, 0)>
module attributes {stable_mosaic.version = 14 : i64} {
  func.func @_sc_body(%arg0: i32, %arg1: i32, %arg2: memref<8192x512xf32, #tpu.memory_space<hbm>>, %arg3: memref<8192x512xf32, #tpu.memory_space<hbm>>, %arg4: memref<32x48xf32, #tpu.memory_space<hbm>>, %arg5: memref<32x512xf32, #tpu.memory_space<vmem>>, %arg6: memref<32x512xf32, #tpu.memory_space<vmem>>, %arg7: memref<48xf32, #tpu.memory_space<vmem>>, %arg8: memref<!tpu.dma_semaphore, #tpu.memory_space<semaphore_mem>>) attributes {dimension_semantics = [#tpu.dimension_semantics<core_parallel>, #tpu.dimension_semantics<subcore_parallel>], iteration_bounds = array<i64: 2, 16>, scalar_prefetch = 0 : i64, scratch_operands = 4 : i64, tpu.core_type = #tpu.core_type<sc_vector_subcore>, window_params = [{transform_indices = #map}, {transform_indices = #map}, {transform_indices = #map}]} {
    %mul3A = arith.constant 16 : i32
    %mul3A_0 = arith.muli %arg0, %mul3A : i32
    %add3A = arith.addi %mul3A_0, %arg1 : i32
    %mul3A_1 = arith.constant 32 : i32
    %mul3A_2 = arith.muli %add3A, %mul3A_1 : i32
    %add3A_3 = arith.constant 7168 : i32
    %add3A_4 = arith.addi %add3A_3, %mul3A_2 : i32
    "tpu.region"() ({
      %run_scoped3A = tpu.sem_alloc : memref<!tpu.dma_semaphore, #tpu.memory_space<semaphore_mem>>
      %dma_start3A = arith.constant 0 : i32
      %dma_start3A_22 = tpu.memref_slice %arg2[%add3A_4, %dma_start3A] : memref<8192x512xf32, #tpu.memory_space<hbm>> -> memref<32x512xf32, #tpu.memory_space<hbm>>
      %dma_start3A_23 = arith.constant 0 : i32
      %dma_start3A_24 = tpu.memref_slice %arg2[%add3A_4, %dma_start3A_23] : memref<8192x512xf32, #tpu.memory_space<hbm>> -> memref<32x512xf32, #tpu.memory_space<hbm>>
      tpu.enqueue_dma source(%dma_start3A_24 : memref<32x512xf32, #tpu.memory_space<hbm>>) target(%arg5 : memref<32x512xf32, #tpu.memory_space<vmem>>) target_semaphore(%run_scoped3A : memref<!tpu.dma_semaphore, #tpu.memory_space<semaphore_mem>>)
      %dma_wait3A = arith.constant 0 : i32
      %dma_wait3A_25 = tpu.memref_slice %arg2[%add3A_4, %dma_wait3A] : memref<8192x512xf32, #tpu.memory_space<hbm>> -> memref<32x512xf32, #tpu.memory_space<hbm>>
      %dma_wait3A_26 = arith.constant 0 : i32
      %dma_wait3A_27 = tpu.memref_slice %arg2[%add3A_4, %dma_wait3A_26] : memref<8192x512xf32, #tpu.memory_space<hbm>> -> memref<32x512xf32, #tpu.memory_space<hbm>>
      tpu.wait_dma2 semaphore(%run_scoped3A : memref<!tpu.dma_semaphore, #tpu.memory_space<semaphore_mem>>) src(%dma_wait3A_27 : memref<32x512xf32, #tpu.memory_space<hbm>>) dst(%arg5 : memref<32x512xf32, #tpu.memory_space<vmem>>)
      tpu.yield
    }) : () -> ()
    "tpu.region"() ({
      %run_scoped3A = tpu.sem_alloc : memref<!tpu.dma_semaphore, #tpu.memory_space<semaphore_mem>>
      %dma_start3A = arith.constant 0 : i32
      %dma_start3A_22 = tpu.memref_slice %arg3[%add3A_4, %dma_start3A] : memref<8192x512xf32, #tpu.memory_space<hbm>> -> memref<32x512xf32, #tpu.memory_space<hbm>>
      %dma_start3A_23 = arith.constant 0 : i32
      %dma_start3A_24 = tpu.memref_slice %arg3[%add3A_4, %dma_start3A_23] : memref<8192x512xf32, #tpu.memory_space<hbm>> -> memref<32x512xf32, #tpu.memory_space<hbm>>
      tpu.enqueue_dma source(%dma_start3A_24 : memref<32x512xf32, #tpu.memory_space<hbm>>) target(%arg6 : memref<32x512xf32, #tpu.memory_space<vmem>>) target_semaphore(%run_scoped3A : memref<!tpu.dma_semaphore, #tpu.memory_space<semaphore_mem>>)
      %dma_wait3A = arith.constant 0 : i32
      %dma_wait3A_25 = tpu.memref_slice %arg3[%add3A_4, %dma_wait3A] : memref<8192x512xf32, #tpu.memory_space<hbm>> -> memref<32x512xf32, #tpu.memory_space<hbm>>
      %dma_wait3A_26 = arith.constant 0 : i32
      %dma_wait3A_27 = tpu.memref_slice %arg3[%add3A_4, %dma_wait3A_26] : memref<8192x512xf32, #tpu.memory_space<hbm>> -> memref<32x512xf32, #tpu.memory_space<hbm>>
      tpu.wait_dma2 semaphore(%run_scoped3A : memref<!tpu.dma_semaphore, #tpu.memory_space<semaphore_mem>>) src(%dma_wait3A_27 : memref<32x512xf32, #tpu.memory_space<hbm>>) dst(%arg6 : memref<32x512xf32, #tpu.memory_space<vmem>>)
      tpu.yield
    }) : () -> ()
    %broadcast_in_dim3A = arith.constant 0.000000e+00 : f32
    %broadcast_in_dim3A_5 = vector.broadcast %broadcast_in_dim3A : f32 to vector<16xf32>
    %scan3A = arith.constant 0 : i32
    %scan3A_6 = arith.constant 1024 : i32
    %scan3A_7 = arith.addi %scan3A, %scan3A_6 : i32
    %scan3A_8 = arith.constant 1 : i32
    %scan3A_9:3 = scf.for %scan3A_22 = %scan3A to %scan3A_7 step %scan3A_8 iter_args(%scan3A_23 = %broadcast_in_dim3A_5, %scan3A_24 = %broadcast_in_dim3A_5, %scan3A_25 = %broadcast_in_dim3A_5) -> (vector<16xf32>, vector<16xf32>, vector<16xf32>)  : i32 {
      %shift_right_logical3A = arith.constant 5 : i32
      %shift_right_logical3A_26 = arith.shrui %scan3A_22, %shift_right_logical3A : i32
      %and3A = arith.constant 31 : i32
      %and3A_27 = arith.andi %scan3A_22, %and3A : i32
      %shift_left3A = arith.constant 4 : i32
      %shift_left3A_28 = arith.shli %and3A_27, %shift_left3A : i32
      %multiple_of3A = tpu.assume_multiple %shift_left3A_28, 16 : i32
      %get3A = arith.index_cast %shift_right_logical3A_26 : i32 to index
      %get3A_29 = arith.index_cast %multiple_of3A : i32 to index
      %get3A_30 = tpu.vector_load %arg5[%get3A, %get3A_29] {strides = array<i32>} : memref<32x512xf32, #tpu.memory_space<vmem>>, vector<1x16xf32>,
      %get3A_31 = vector.shape_cast %get3A_30 : vector<1x16xf32> to vector<16xf32>
      %get3A_32 = arith.index_cast %shift_right_logical3A_26 : i32 to index
      %get3A_33 = arith.index_cast %multiple_of3A : i32 to index
      %get3A_34 = tpu.vector_load %arg6[%get3A_32, %get3A_33] {strides = array<i32>} : memref<32x512xf32, #tpu.memory_space<vmem>>, vector<1x16xf32>,
      %get3A_35 = vector.shape_cast %get3A_34 : vector<1x16xf32> to vector<16xf32>
      %gt3A = arith.constant 1.000000e+00 : f32
      %gt3A_36 = vector.broadcast %gt3A : f32 to vector<16xf32>
      %gt3A_37 = arith.cmpf ogt, %get3A_35, %gt3A_36 : vector<16xf32>
      %sub3A = arith.subf %get3A_31, %get3A_35 : vector<16xf32>
      %add3A_38 = arith.addf %scan3A_23, %sub3A : vector<16xf32>
      %mul3A_39 = arith.mulf %sub3A, %sub3A : vector<16xf32>
      %add3A_40 = arith.addf %scan3A_24, %mul3A_39 : vector<16xf32>
      %jit3A = arith.constant 1.000000e+00 : f32
      %jit3A_41 = arith.constant 0.000000e+00 : f32
      %broadcast_in_dim3A_42 = vector.broadcast %jit3A : f32 to vector<16xf32>
      %broadcast_in_dim3A_43 = vector.broadcast %jit3A_41 : f32 to vector<16xf32>
      %select_n3A = arith.select %gt3A_37, %broadcast_in_dim3A_42, %broadcast_in_dim3A_43 : vector<16xi1>, vector<16xf32>
      %add3A_44 = arith.addf %scan3A_25, %select_n3A : vector<16xf32>
      scf.yield %add3A_38, %add3A_40, %add3A_44 : vector<16xf32>, vector<16xf32>, vector<16xf32>
    }
    %scan3A_10 = arith.constant 1024 : i32
    %swap3A = arith.constant 0 : index
    %swap3A_11 = tpu.vector_load %arg7[%swap3A] {strides = array<i32>} : memref<48xf32, #tpu.memory_space<vmem>>, vector<16xf32>,
    %swap3A_12 = vector.shape_cast %swap3A_11 : vector<16xf32> to vector<16xf32>
    %swap3A_13 = vector.shape_cast %scan3A_9#0 : vector<16xf32> to vector<16xf32>
    tpu.vector_store %arg7[%swap3A], %swap3A_13 {strides = array<i32>} : memref<48xf32, #tpu.memory_space<vmem>>, vector<16xf32>,
    %swap3A_14 = arith.constant 16 : index
    %swap3A_15 = tpu.vector_load %arg7[%swap3A_14] {strides = array<i32>} : memref<48xf32, #tpu.memory_space<vmem>>, vector<16xf32>,
    %swap3A_16 = vector.shape_cast %swap3A_15 : vector<16xf32> to vector<16xf32>
    %swap3A_17 = vector.shape_cast %scan3A_9#1 : vector<16xf32> to vector<16xf32>
    tpu.vector_store %arg7[%swap3A_14], %swap3A_17 {strides = array<i32>} : memref<48xf32, #tpu.memory_space<vmem>>, vector<16xf32>,
    %swap3A_18 = arith.constant 32 : index
    %swap3A_19 = tpu.vector_load %arg7[%swap3A_18] {strides = array<i32>} : memref<48xf32, #tpu.memory_space<vmem>>, vector<16xf32>,
    %swap3A_20 = vector.shape_cast %swap3A_19 : vector<16xf32> to vector<16xf32>
    %swap3A_21 = vector.shape_cast %scan3A_9#2 : vector<16xf32> to vector<16xf32>
    tpu.vector_store %arg7[%swap3A_18], %swap3A_21 {strides = array<i32>} : memref<48xf32, #tpu.memory_space<vmem>>, vector<16xf32>,
    "tpu.region"() ({
      %run_scoped3A = tpu.sem_alloc : memref<!tpu.dma_semaphore, #tpu.memory_space<semaphore_mem>>
      %dma_start3A = arith.constant 0 : i32
      %dma_start3A_22 = tpu.memref_slice %arg4[%add3A, %dma_start3A] : memref<32x48xf32, #tpu.memory_space<hbm>> -> memref<1x48xf32, #tpu.memory_space<hbm>>
      %dma_start3A_23 = tpu.memref_squeeze %dma_start3A_22 : memref<1x48xf32, #tpu.memory_space<hbm>> -> memref<48xf32, #tpu.memory_space<hbm>>
      %dma_start3A_24 = arith.constant 0 : i32
      %dma_start3A_25 = tpu.memref_slice %arg4[%add3A, %dma_start3A_24] : memref<32x48xf32, #tpu.memory_space<hbm>> -> memref<1x48xf32, #tpu.memory_space<hbm>>
      %dma_start3A_26 = tpu.memref_squeeze %dma_start3A_25 : memref<1x48xf32, #tpu.memory_space<hbm>> -> memref<48xf32, #tpu.memory_space<hbm>>
      tpu.enqueue_dma source(%arg7 : memref<48xf32, #tpu.memory_space<vmem>>) target(%dma_start3A_26 : memref<48xf32, #tpu.memory_space<hbm>>) target_semaphore(%run_scoped3A : memref<!tpu.dma_semaphore, #tpu.memory_space<semaphore_mem>>)
      %dma_wait3A = arith.constant 0 : i32
      %dma_wait3A_27 = tpu.memref_slice %arg4[%add3A, %dma_wait3A] : memref<32x48xf32, #tpu.memory_space<hbm>> -> memref<1x48xf32, #tpu.memory_space<hbm>>
      %dma_wait3A_28 = tpu.memref_squeeze %dma_wait3A_27 : memref<1x48xf32, #tpu.memory_space<hbm>> -> memref<48xf32, #tpu.memory_space<hbm>>
      %dma_wait3A_29 = arith.constant 0 : i32
      %dma_wait3A_30 = tpu.memref_slice %arg4[%add3A, %dma_wait3A_29] : memref<32x48xf32, #tpu.memory_space<hbm>> -> memref<1x48xf32, #tpu.memory_space<hbm>>
      %dma_wait3A_31 = tpu.memref_squeeze %dma_wait3A_30 : memref<1x48xf32, #tpu.memory_space<hbm>> -> memref<48xf32, #tpu.memory_space<hbm>>
      tpu.wait_dma2 semaphore(%run_scoped3A : memref<!tpu.dma_semaphore, #tpu.memory_space<semaphore_mem>>) src(%arg7 : memref<48xf32, #tpu.memory_space<vmem>>) dst(%dma_wait3A_31 : memref<48xf32, #tpu.memory_space<hbm>>)
      tpu.yield
    }) : () -> ()
    return
  }
}

module attributes {stable_mosaic.version = 14 : i64} {
  func.func @_combine_body(%arg0: memref<3xf32, #tpu.memory_space<smem>>, %arg1: memref<32x48xf32, #tpu.memory_space<vmem>>, %arg2: memref<1xf32, #tpu.memory_space<smem>>) attributes {dimension_semantics = [], scalar_prefetch = 0 : i64, scratch_operands = 0 : i64, tpu.core_type = #tpu.core_type<tc>} {
    %get3A = arith.constant 0 : index
    %get3A_0 = arith.constant 0 : index
    %get3A_1 = vector.load %arg1[%get3A, %get3A_0] : memref<32x48xf32, #tpu.memory_space<vmem>>, vector<32x48xf32>
    %get3A_2 = arith.constant 0 : index
    %get3A_3 = memref.load %arg0[%get3A_2] : memref<3xf32, #tpu.memory_space<smem>>
    %slice3A = vector.extract_strided_slice %get3A_1 {offsets = [0, 0], sizes = [32, 16], strides = [1, 1]} : vector<32x48xf32> to vector<32x16xf32>
    %reduce_sum3A = vector.shape_cast %slice3A : vector<32x16xf32> to vector<1x32x16xf32>
    %reduce_sum3A_4 = arith.constant dense<0.000000e+00> : vector<1xf32>
    %reduce_sum3A_5 = vector.multi_reduction <add>, %reduce_sum3A, %reduce_sum3A_4 [1, 2] : vector<1x32x16xf32> to vector<1xf32>
    %reduce_sum3A_6 = vector.shape_cast %reduce_sum3A_5 : vector<1xf32> to vector<1x1x1xf32>
    %reduce_sum3A_7 = vector.extract %reduce_sum3A_6[0, 0, 0] : f32 from vector<1x1x1xf32>
    %add3A = arith.addf %get3A_3, %reduce_sum3A_7 : f32
    %get3A_8 = arith.constant 1 : index
    %get3A_9 = memref.load %arg0[%get3A_8] : memref<3xf32, #tpu.memory_space<smem>>
    %slice3A_10 = vector.extract_strided_slice %get3A_1 {offsets = [0, 16], sizes = [32, 16], strides = [1, 1]} : vector<32x48xf32> to vector<32x16xf32>
    %reduce_sum3A_11 = vector.shape_cast %slice3A_10 : vector<32x16xf32> to vector<1x32x16xf32>
    %reduce_sum3A_12 = arith.constant dense<0.000000e+00> : vector<1xf32>
    %reduce_sum3A_13 = vector.multi_reduction <add>, %reduce_sum3A_11, %reduce_sum3A_12 [1, 2] : vector<1x32x16xf32> to vector<1xf32>
    %reduce_sum3A_14 = vector.shape_cast %reduce_sum3A_13 : vector<1xf32> to vector<1x1x1xf32>
    %reduce_sum3A_15 = vector.extract %reduce_sum3A_14[0, 0, 0] : f32 from vector<1x1x1xf32>
    %add3A_16 = arith.addf %get3A_9, %reduce_sum3A_15 : f32
    %get3A_17 = arith.constant 2 : index
    %get3A_18 = memref.load %arg0[%get3A_17] : memref<3xf32, #tpu.memory_space<smem>>
    %slice3A_19 = vector.extract_strided_slice %get3A_1 {offsets = [0, 32], sizes = [32, 16], strides = [1, 1]} : vector<32x48xf32> to vector<32x16xf32>
    %reduce_sum3A_20 = vector.shape_cast %slice3A_19 : vector<32x16xf32> to vector<1x32x16xf32>
    %reduce_sum3A_21 = arith.constant dense<0.000000e+00> : vector<1xf32>
    %reduce_sum3A_22 = vector.multi_reduction <add>, %reduce_sum3A_20, %reduce_sum3A_21 [1, 2] : vector<1x32x16xf32> to vector<1xf32>
    %reduce_sum3A_23 = vector.shape_cast %reduce_sum3A_22 : vector<1xf32> to vector<1x1x1xf32>
    %reduce_sum3A_24 = vector.extract %reduce_sum3A_23[0, 0, 0] : f32 from vector<1x1x1xf32>
    %add3A_25 = arith.addf %get3A_18, %reduce_sum3A_24 : f32
    %div3A = arith.divf %add3A, %add3A_25 : f32
    %div3A_26 = arith.divf %add3A_16, %add3A_25 : f32
    %mul3A = arith.constant 8.500000e-01 : f32
    %mul3A_27 = arith.mulf %mul3A, %div3A : f32
    %mul3A_28 = arith.mulf %mul3A_27, %div3A : f32
    %sub3A = arith.subf %div3A_26, %mul3A_28 : f32
    %sqrt3A = math.sqrt %sub3A : f32
    %mul3A_29 = arith.constant 1.000000e+01 : f32
    %mul3A_30 = arith.mulf %sqrt3A, %mul3A_29 : f32
    %swap3A = arith.constant 0 : index
    %swap3A_31 = memref.load %arg2[%swap3A] : memref<1xf32, #tpu.memory_space<smem>>
    memref.store %mul3A_30, %arg2[%swap3A] : memref<1xf32, #tpu.memory_space<smem>>
    return
  }
}

module attributes {stable_mosaic.version = 14 : i64} {
  func.func @_tc_body(%arg0: i32, %arg1: memref<1792x512xf32, #tpu.memory_space<vmem>>, %arg2: memref<1792x512xf32, #tpu.memory_space<vmem>>, %arg3: memref<3xf32, #tpu.memory_space<smem>>, %arg4: memref<3xf32, #tpu.memory_space<smem>>) attributes {dimension_semantics = [#tpu.dimension_semantics<arbitrary>], iteration_bounds = array<i64: 4>, scalar_prefetch = 0 : i64, scratch_operands = 1 : i64, tpu.core_type = #tpu.core_type<tc>, window_params = [{transform_indices = @transform_0, window_bounds = array<i64: 1792, 512>}, {transform_indices = @transform_1, window_bounds = array<i64: 1792, 512>}, {transform_indices = @transform_2, window_bounds = array<i64: 3>}]} {
    %eq3A = arith.constant 0 : i32
    %eq3A_0 = arith.cmpi eq, %arg0, %eq3A : i32
    %convert_element_type3A = arith.extui %eq3A_0 : i1 to i32
    %cond3A = arith.constant 0 : i32
    %cond3A_1 = arith.cmpi ne, %convert_element_type3A, %cond3A : i32
    scf.if %cond3A_1 {
      %swap3A_50 = arith.constant 0.000000e+00 : f32
      %swap3A_51 = arith.constant 0 : index
      %swap3A_52 = memref.load %arg4[%swap3A_51] : memref<3xf32, #tpu.memory_space<smem>>
      memref.store %swap3A_50, %arg4[%swap3A_51] : memref<3xf32, #tpu.memory_space<smem>>
      %swap3A_53 = arith.constant 0.000000e+00 : f32
      %swap3A_54 = arith.constant 1 : index
      %swap3A_55 = memref.load %arg4[%swap3A_54] : memref<3xf32, #tpu.memory_space<smem>>
      memref.store %swap3A_53, %arg4[%swap3A_54] : memref<3xf32, #tpu.memory_space<smem>>
      %swap3A_56 = arith.constant 0.000000e+00 : f32
      %swap3A_57 = arith.constant 2 : index
      %swap3A_58 = memref.load %arg4[%swap3A_57] : memref<3xf32, #tpu.memory_space<smem>>
      memref.store %swap3A_56, %arg4[%swap3A_57] : memref<3xf32, #tpu.memory_space<smem>>
    } else {
    }
    %get3A = arith.constant 0 : index
    %get3A_2 = arith.constant 0 : index
    %get3A_3 = vector.load %arg1[%get3A, %get3A_2] : memref<1792x512xf32, #tpu.memory_space<vmem>>, vector<1792x512xf32>
    %get3A_4 = arith.constant 0 : index
    %get3A_5 = arith.constant 0 : index
    %get3A_6 = vector.load %arg2[%get3A_4, %get3A_5] : memref<1792x512xf32, #tpu.memory_space<vmem>>, vector<1792x512xf32>
    %gt3A = arith.constant 1.000000e+00 : f32
    %gt3A_7 = vector.broadcast %gt3A : f32 to vector<1792x512xf32>
    %gt3A_8 = arith.cmpf ogt, %get3A_6, %gt3A_7 : vector<1792x512xf32>
    %jit3A = arith.constant 1.000000e+00 : f32
    %broadcast_in_dim3A = vector.broadcast %jit3A : f32 to vector<1792x512xf32>
    %select_n3A = arith.select %gt3A_8, %get3A_3, %broadcast_in_dim3A : vector<1792x512xi1>, vector<1792x512xf32>
    %log3A = math.log %select_n3A : vector<1792x512xf32>
    %jit3A_9 = arith.constant 1.000000e+00 : f32
    %broadcast_in_dim3A_10 = vector.broadcast %jit3A_9 : f32 to vector<1792x512xf32>
    %select_n3A_11 = arith.select %gt3A_8, %get3A_6, %broadcast_in_dim3A_10 : vector<1792x512xi1>, vector<1792x512xf32>
    %log3A_12 = math.log %select_n3A_11 : vector<1792x512xf32>
    %sub3A = arith.subf %log3A, %log3A_12 : vector<1792x512xf32>
    %jit3A_13 = arith.constant 0.000000e+00 : f32
    %broadcast_in_dim3A_14 = vector.broadcast %jit3A_13 : f32 to vector<1792x512xf32>
    %select_n3A_15 = arith.select %gt3A_8, %sub3A, %broadcast_in_dim3A_14 : vector<1792x512xi1>, vector<1792x512xf32>
    %get3A_16 = arith.constant 0 : index
    %get3A_17 = memref.load %arg4[%get3A_16] : memref<3xf32, #tpu.memory_space<smem>>
    %reduce_sum3A = vector.shape_cast %select_n3A_15 : vector<1792x512xf32> to vector<1x1792x512xf32>
    %reduce_sum3A_18 = arith.constant dense<0.000000e+00> : vector<1xf32>
    %reduce_sum3A_19 = vector.multi_reduction <add>, %reduce_sum3A, %reduce_sum3A_18 [1, 2] : vector<1x1792x512xf32> to vector<1xf32>
    %reduce_sum3A_20 = vector.shape_cast %reduce_sum3A_19 : vector<1xf32> to vector<1x1x1xf32>
    %reduce_sum3A_21 = vector.extract %reduce_sum3A_20[0, 0, 0] : f32 from vector<1x1x1xf32>
    %add3A = arith.addf %get3A_17, %reduce_sum3A_21 : f32
    %swap3A = arith.constant 0 : index
    %swap3A_22 = memref.load %arg4[%swap3A] : memref<3xf32, #tpu.memory_space<smem>>
    memref.store %add3A, %arg4[%swap3A] : memref<3xf32, #tpu.memory_space<smem>>
    %get3A_23 = arith.constant 1 : index
    %get3A_24 = memref.load %arg4[%get3A_23] : memref<3xf32, #tpu.memory_space<smem>>
    %mul3A = arith.mulf %select_n3A_15, %select_n3A_15 : vector<1792x512xf32>
    %reduce_sum3A_25 = vector.shape_cast %mul3A : vector<1792x512xf32> to vector<1x1792x512xf32>
    %reduce_sum3A_26 = arith.constant dense<0.000000e+00> : vector<1xf32>
    %reduce_sum3A_27 = vector.multi_reduction <add>, %reduce_sum3A_25, %reduce_sum3A_26 [1, 2] : vector<1x1792x512xf32> to vector<1xf32>
    %reduce_sum3A_28 = vector.shape_cast %reduce_sum3A_27 : vector<1xf32> to vector<1x1x1xf32>
    %reduce_sum3A_29 = vector.extract %reduce_sum3A_28[0, 0, 0] : f32 from vector<1x1x1xf32>
    %add3A_30 = arith.addf %get3A_24, %reduce_sum3A_29 : f32
    %swap3A_31 = arith.constant 1 : index
    %swap3A_32 = memref.load %arg4[%swap3A_31] : memref<3xf32, #tpu.memory_space<smem>>
    memref.store %add3A_30, %arg4[%swap3A_31] : memref<3xf32, #tpu.memory_space<smem>>
    %get3A_33 = arith.constant 2 : index
    %get3A_34 = memref.load %arg4[%get3A_33] : memref<3xf32, #tpu.memory_space<smem>>
    %convert_element_type3A_35 = arith.extui %gt3A_8 : vector<1792x512xi1> to vector<1792x512xi32>
    %convert_element_type3A_36 = arith.sitofp %convert_element_type3A_35 : vector<1792x512xi32> to vector<1792x512xf32>
    %reduce_sum3A_37 = vector.shape_cast %convert_element_type3A_36 : vector<1792x512xf32> to vector<1x1792x512xf32>
    %reduce_sum3A_38 = arith.constant dense<0.000000e+00> : vector<1xf32>
    %reduce_sum3A_39 = vector.multi_reduction <add>, %reduce_sum3A_37, %reduce_sum3A_38 [1, 2] : vector<1x1792x512xf32> to vector<1xf32>
    %reduce_sum3A_40 = vector.shape_cast %reduce_sum3A_39 : vector<1xf32> to vector<1x1x1xf32>
    %reduce_sum3A_41 = vector.extract %reduce_sum3A_40[0, 0, 0] : f32 from vector<1x1x1xf32>
    %add3A_42 = arith.addf %get3A_34, %reduce_sum3A_41 : f32
    %swap3A_43 = arith.constant 2 : index
    %swap3A_44 = memref.load %arg4[%swap3A_43] : memref<3xf32, #tpu.memory_space<smem>>
    memref.store %add3A_42, %arg4[%swap3A_43] : memref<3xf32, #tpu.memory_space<smem>>
    %eq3A_45 = arith.constant 3 : i32
    %eq3A_46 = arith.cmpi eq, %arg0, %eq3A_45 : i32
    %convert_element_type3A_47 = arith.extui %eq3A_46 : i1 to i32
    %cond3A_48 = arith.constant 0 : i32
    %cond3A_49 = arith.cmpi ne, %convert_element_type3A_47, %cond3A_48 : i32
    scf.if %cond3A_49 {
      %get3A_50 = arith.constant 0 : index
      %get3A_51 = memref.load %arg4[%get3A_50] : memref<3xf32, #tpu.memory_space<smem>>
      %swap3A_52 = arith.constant 0 : index
      %swap3A_53 = memref.load %arg3[%swap3A_52] : memref<3xf32, #tpu.memory_space<smem>>
      memref.store %get3A_51, %arg3[%swap3A_52] : memref<3xf32, #tpu.memory_space<smem>>
      %get3A_54 = arith.constant 1 : index
      %get3A_55 = memref.load %arg4[%get3A_54] : memref<3xf32, #tpu.memory_space<smem>>
      %swap3A_56 = arith.constant 1 : index
      %swap3A_57 = memref.load %arg3[%swap3A_56] : memref<3xf32, #tpu.memory_space<smem>>
      memref.store %get3A_55, %arg3[%swap3A_56] : memref<3xf32, #tpu.memory_space<smem>>
      %get3A_58 = arith.constant 2 : index
      %get3A_59 = memref.load %arg4[%get3A_58] : memref<3xf32, #tpu.memory_space<smem>>
      %swap3A_60 = arith.constant 2 : index
      %swap3A_61 = memref.load %arg3[%swap3A_60] : memref<3xf32, #tpu.memory_space<smem>>
      memref.store %get3A_59, %arg3[%swap3A_60] : memref<3xf32, #tpu.memory_space<smem>>
    } else {
    }
    return
  }
  func.func @transform_0(%arg0: i32) -> (i32, i32) {
    %c0_i32 = arith.constant 0 : i32
    %c0_i32_0 = arith.constant 0 : i32
    return %arg0, %c0_i32 : i32, i32
  }
  func.func @transform_1(%arg0: i32) -> (i32, i32) {
    %c0_i32 = arith.constant 0 : i32
    %c0_i32_0 = arith.constant 0 : i32
    return %arg0, %c0_i32 : i32, i32
  }
  func.func @transform_2(%arg0: i32) -> i32 {
    %c0_i32 = arith.constant 0 : i32
    %c0_i32_0 = arith.constant 0 : i32
    return %c0_i32 : i32
  }
}

</mosaic_0001>

<sc_bundles>
// kernel: kernel.5.cloned.1.call-start
scs
__scs_entry_jumppad:
0x0: {  	(pc) =	sbr.rel $0x88, $3  }
0x1: {  	(tag) =	ssettag $0x0;
	lr =	simm.s32 $0x1  }
0x2: {  	[smem:$0x3F9F] =	sst lr;
	_ =	strace $0xD0000000  }
0x3: {  	_ = 	snop  }
0x4: {  	_ = 	snop  }
0x5: {  	_ = 	snop  }
0x6: {  	_ = 	snop  }
0x7: {  	_ = 	snop  }
__scs_overlays_trampoline_lowered:
0x8: {  	[smem:$0x3FAE] =	sst s0  }
0x9: {  	[smem:$0x3FAF] =	sst s1  }
0xa: {  	[smem:$0x3FB0] =	sst s2  }
0xb: {  	[smem:$0x3FB1] =	sst s3  }
0xc: {  	[smem:$0x3FB2] =	sst s4  }
0xd: {  	[smem:$0x3FB3] =	sst s5  }
0xe: {  	[smem:$0x3FB4] =	sst s6  }
0xf: {  	[smem:$0x3FB5] =	sst s7  }
0x10: {  	[smem:$0x3FB6] =	sst s8  }
0x11: {  	[smem:$0x3FB7] =	sst s9;
	s0 =	simm.s32 @!p0 $0x0  }
0x12: {  	s1 =	sld [smem:$0x3F9D];
	s0 =	simm.s32 @p0 $0x1  }
0x13: {  	[smem:$0x3FB8] =	sst s0;
	s0 =	simm.s32 @!p1 $0x0  }
0x14: {  	s2 =	sld [smem:$0x3F9C];
	s0 =	simm.s32 @p1 $0x1  }
0x15: {  	[smem:$0x3FB9] =	sst s0;
	s0 =	simm.s32 @!p2 $0x0  }
0x16: {  	s3 =	sld [smem:$0x3FDB];
	s0 =	simm.s32 @p2 $0x1  }
0x17: {  	s4 =	simm.s32 $0x1BF5;
	[smem:$0x3FBB] =	sst s0  }
0x18: {  	s0 =	sld [smem:$0x3F9E];
	_ =	swait.ge [sflag:s4], $0x0  }
0x19: {  	s7 =	sld [smem:$0x3F9F]  }
0x1a: {  	s8 =	sadd.s32 $0xFFFFE003, lr  }
0x1b: {  	s9 =	sadd.s32 $0xFFFFFEF7, lr;
	s5 =	simm.s32 $0xFFFFFFFF;
	p2 =	slt.u32 s8, $0xFFFFF086  }
0x1c: {  	p1 =	slt.u32 s9, $0xF7A;
	s5 =	simm.s32 @!p2 $0x0  }
0x1d: {  	s5 =	simm.s32 @p1 $0x1;
	p0 =	seq.s32 s7, s2  }
0x1e: {  	s7 =	smul.u32 @!p0 $0xF7A, s2;
	p2 =	seq.s32 @!p0 s5, $0x0  }
0x1f: {  	s9 =	smul.u32 $0xF7A, s1;
	s8 =	simm.s32 @!p0 $0x1BF5;
	p2 =	por !p2, p0  }
0x20: {  	[sflag:s8] =	ssyncset.s32 @!p0 $0xFFFFF086;
	s6 =	sadd.s32 @!p0 s3, s7;
	s7 =	simm.s32 @!p0 $0x108  }
0x21: {  	s3 =	sadd.s32 s3, s9;
	s6 =	sadd.s32 @!p0 $0x88, s6;
	s7 =	simm.s32 @p2 $0x1082  }
0x22: {  	[simem:s7], [sflag:s8] =	dma.local @!p0 [hbm:s6], $0xF7A  }
0x23: {  	s9 =	sor.u32 $0xD0000000, s2;
	s6 =	simm.s32 $0x108;
	_ =	swait.ge @!p0 [sflag:s8], $0x0  }
0x24: {  	s3 =	sadd.s32 $0x88, s3;
	s6 =	simm.s32 @!p1 $0x1082;
	[sflag:s4] =	ssyncset.s32 $0xFFFFF086  }
0x25: {  	[simem:s6], [sflag:s4] =	dma.local [hbm:s3], $0xF7A  }
0x26: {  	[smem:$0x3F9F] =	sst s1;
	(tag) =	ssettag s2;
	_ =	strace s9  }
0x27: {  	s1 =	sld [smem:$0x3FAF]  }
0x28: {  	s2 =	sld [smem:$0x3FB0]  }
0x29: {  	s4 =	sld [smem:$0x3FB2]  }
0x2a: {  	p0 =	seq.s32 s5, $0x0;
	s5 =	sld [smem:$0x3FB3]  }
0x2b: {  	s6 =	sld [smem:$0x3FB4]  }
0x2c: {  	s7 =	sld [smem:$0x3FB5]  }
0x2d: {  	s3 =	simm.s32 $0x108;
	s8 =	sld [smem:$0x3FB6]  }
0x2e: {  	s3 =	simm.s32 @!p0 $0x1082;
	s9 =	sld [smem:$0x3FB7]  }
0x2f: {  	lr =	sadd.s32 s0, s3;
	s0 =	sld [smem:$0x3FAE]  }
0x30: {  	s3 =	sld [smem:$0x3FB1]  }
0x31: {  	[smem:$0x3FBA] =	sst s10  }
0x32: {  	s10 =	sld [smem:$0x3FB8];
	_ =	sdelay $0x3  }
0x33: {  	p0 =	seq.s32 s10, $0x1;
	s10 =	sld [smem:$0x3FBA];
	_ =	sdelay $0x3  }
0x34: {  	[smem:$0x3FBA] =	sst s10  }
0x35: {  	s10 =	sld [smem:$0x3FB9];
	_ =	sdelay $0x3  }
0x36: {  	p1 =	seq.s32 s10, $0x1;
	s10 =	sld [smem:$0x3FBA];
	_ =	sdelay $0x3  }
0x37: {  	[smem:$0x3FBA] =	sst s10  }
0x38: {  	s10 =	sld [smem:$0x3FBB]  }
0x39: {  	_ = 	snop;
	(pc) =	sbr.ind lr, $3  }
0x3a: {  	_ = 	snop  }
0x3b: {  	_ = 	snop  }
0x3c: {  	p2 =	seq.s32 s10, $0x1;
	s10 =	sld [smem:$0x3FBA]  }
0x3d: {  	_ =	shalt  }
0x3e: {  	_ =	shalt  }
0x3f: {  	_ =	shalt  }
0x40: {  	_ =	shalt  }
0x41: {  	_ =	shalt  }
0x42: {  	_ =	shalt  }
0x43: {  	_ =	shalt  }
0x44: {  	_ =	shalt  }
0x45: {  	_ =	shalt  }
0x46: {  	_ =	shalt  }
0x47: {  	_ =	shalt  }
0x48: {  	_ =	shalt  }
0x49: {  	_ =	shalt  }
0x4a: {  	_ =	shalt  }
0x4b: {  	_ =	shalt  }
0x4c: {  	_ =	shalt  }
0x4d: {  	_ =	shalt  }
0x4e: {  	_ =	shalt  }
0x4f: {  	_ =	shalt  }
0x50: {  	_ =	shalt  }
0x51: {  	_ =	shalt  }
0x52: {  	_ =	shalt  }
0x53: {  	_ =	shalt  }
0x54: {  	_ =	shalt  }
0x55: {  	_ =	shalt  }
0x56: {  	_ =	shalt  }
0x57: {  	_ =	shalt  }
0x58: {  	_ =	shalt  }
0x59: {  	_ =	shalt  }
0x5a: {  	_ =	shalt  }
0x5b: {  	_ =	shalt  }
0x5c: {  	_ =	shalt  }
0x5d: {  	_ =	shalt  }
0x5e: {  	_ =	shalt  }
0x5f: {  	_ =	shalt  }
0x60: {  	_ =	shalt  }
0x61: {  	_ =	shalt  }
0x62: {  	_ =	shalt  }
0x63: {  	_ =	shalt  }
0x64: {  	_ =	shalt  }
0x65: {  	_ =	shalt  }
0x66: {  	_ =	shalt  }
0x67: {  	_ =	shalt  }
0x68: {  	_ =	shalt  }
0x69: {  	_ =	shalt  }
0x6a: {  	_ =	shalt  }
0x6b: {  	_ =	shalt  }
0x6c: {  	_ =	shalt  }
0x6d: {  	_ =	shalt  }
0x6e: {  	_ =	shalt  }
0x6f: {  	_ =	shalt  }
0x70: {  	_ =	shalt  }
0x71: {  	_ =	shalt  }
0x72: {  	_ =	shalt  }
0x73: {  	_ =	shalt  }
0x74: {  	_ =	shalt  }
0x75: {  	_ =	shalt  }
0x76: {  	_ =	shalt  }
0x77: {  	_ =	shalt  }
0x78: {  	_ =	shalt  }
0x79: {  	_ =	shalt  }
0x7a: {  	_ =	shalt  }
0x7b: {  	_ =	shalt  }
0x7c: {  	_ =	shalt  }
0x7d: {  	_ =	shalt  }
0x7e: {  	_ =	shalt  }
0x7f: {  	_ =	shalt  }
0x80: {  	_ =	shalt  }
0x81: {  	_ =	shalt  }
0x82: {  	_ =	shalt  }
0x83: {  	_ =	shalt  }
0x84: {  	_ =	shalt  }
0x85: {  	_ =	shalt  }
0x86: {  	_ =	shalt  }
0x87: {  	_ =	shalt  }
.Lfunc_end0:
.L_simem_size_0:
called_computation_lowered:
.L_overlay_start_0:
0x88: {  	s2 =	sld [smem:$0x3FD9]  }
0x89: {  	s3 =	sld [smem:$0x3FFE];
	_ =	sdelay $0x1  }
0x8a: {  	s1 =	srdreg.scid  }
0x8b: {  	s0 =	sand.u32 $0x1, s1  }
0x8c: {  	s17 =	sshll.u32 s0, $0xA;
	s2 =	sadd.s32 s3, s2  }
0x8d: {  	s2 =	sadd.s32 s2, s17  }
0x8e: {  	[smem:$0x3FC6] =	sst s2  }
0x8f: {  	_ = 	snop  }
0x90: {  	s2 =	sld [smem:$0x3FC9]  }
0x91: {  	s18 =	sld [smem:$0x3FC8];
	(tm) =	ssettm $0x1  }
0x92: {  	s4 =	sld [smem:$0x3FFB];
	_ =	sdelay $0x3  }
0x93: {  	_ =	strace s4  }
0x94: {  	s4 =	sld [smem:$0x3FFC];
	_ =	sdelay $0x3  }
0x95: {  	_ =	strace s4  }
0x96: {  	s4 =	sld [smem:$0x3FFD];
	_ =	sdelay $0x3  }
0x97: {  	_ =	strace s4  }
0x98: {  	_ =	strace $0x8FFFFFFF  }
0x99: {  	s19 =	sld [smem:$0x3FDB];
	_ =	sdelay $0x1  }
0x9a: {  	s5 =	simm.s32 $_scs_section_size  }
0x9b: {  	s6 =	simm.s32 $_size__tile_overlayer_lowered;
	s7 =	simm.s32 $_tile_overlayer_lowered  }
0x9c: {  	s22 =	simm.s32 $0x1BFF;
	s21 =	sshll.u32 s7, $0x1;
	s4 =	sadd.s32 s5, s19  }
0x9d: {  	s8 =	simm.s32 $0x0;
	s20 =	sshll.u32 s6, $0x1;
	s6 =	sadd.s32 s21, s4  }
0x9e: {  	[timem:s8], [sflag:s22] =	dma.local [hbm:s6], s20  }
0x9f: {  	_ =	swait.ge [sflag:s22], s20  }
0xa0: {  	s5 =	ssub.s32 $0x0, s20;
	[sflag:s22] =	ssyncset.done $0x0  }
0xa1: {  	[sflag:s22] =	ssyncadd.s32 s5;
	_ =	sdelay $0x1  }
0xa2: {  	s23 =	simm.s32 $0x1B8B  }
0xa3: {  	_ =	swait.ge [sflag:s23], $0x1  }
0xa4: {  	[sflag:s23] =	ssyncset.done $0x0  }
0xa5: {  	s25 =	simm.s32 $0x1B8E;
	s24 =	sld [smem:$0x3FFE];
	[sflag:s23] =	ssyncadd.s32 $0xFFFFFFFF  }
0xa6: {  	s26 =	simm.s32 $execute0_lowered;
	[smem:$0x3FD2] =	sst s25  }
0xa7: {  	s6 =	sshll.u32 s26, $0x1;
	_ =	strace $0x80000046;
	[dreg:$0x1] =	wrdreg $0xFFFFFFFF  }
0xa8: {  	s28 =	simm.s32 $_size_execute0_lowered;
	s4 =	sadd.s32 s4, s6;
	[dreg:$0x0] =	wrdreg $0x0  }
0xa9: {  	s6 =	sshll.u32 s28, $0x1;
	[dreg:$0x2] =	wrdreg s4  }
0xaa: {  	[dreg:$0x3] =	wrdreg s6  }
0xab: {  	[dreg:$0x4] =	wrdreg $0xC0  }
0xac: {  	_ =	task [dreg:s8], $0x5FFFF  }
0xad: {  	[dreg:$0x1] =	wrdreg $0xFFFFFFFF  }
0xae: {  	[dreg:$0x0] =	wrdreg $0x60  }
0xaf: {  	[dreg:$0x2] =	wrdreg s2  }
0xb0: {  	[dreg:$0x3] =	wrdreg s18  }
0xb1: {  	[dreg:$0x4] =	wrdreg s24  }
0xb2: {  	[dreg:$0x5] =	wrdreg $0x9  }
0xb3: {  	_ =	task.clear_ibuf [dreg:s8], $0x6FFFF;
	_ =	strace $0x90000046  }
0xb4: {  	s29 =	simm.s32 $0x9;
	_ =	strace $0x80000048  }
0xb5: {  	_ =	swait.ge [sflag:s29], $0x1  }
0xb6: {  	[sflag:s29] =	ssyncadd.s32 $0xFFFFFFFF  }
0xb7: {  	_ =	strace $0x90000048  }
0xb8: {  	_ =	sfence  }
0xb9: {  	s30 =	sld [smem:$0x0];
	_ =	sdelay $0x2  }
0xba: {  	s31 =	sshll.u32 s1, $0xD;
	s1 =	sshrl.u32 s1, $0x2  }
0xbb: {  	s3 =	sand.u32 $0x4000, s31;
	s1 =	sadd.s32 s1, s30  }
0xbc: {  	s0 =	sor.u32 s3, s0;
	s1 =	sshll.u32 s1, $0x11  }
0xbd: {  	s0 =	sor.u32 s1, s0  }
0xbe: {  	s0 =	sadd.s32 $0x8F2B, s0  }
0xbf: {  	[sflag:s0] =	ssyncadd.remote.s32 $0x1  }
0xc0: {  	_ =	sfence.sel $0xFFFF  }
0xc1: {  	[dreg:$0x0] =	wrdreg $0xFFFFFFFF;
	(pc) =	sbr.abs _section_cstart, $3  }
0xc2: {  	[dreg:$0x1] =	wrdreg $0xFFFFFFFF  }
0xc3: {  	_ =	task.clear_ibuf [dreg:s8], $0x2FFFF;
	_ =	strace $0x9FFFFFFF  }
0xc4: {  	(tm) =	ssettm $0x7FFFFFFF  }
0xc5: {  	_ =	shalt  }
tec
execute0_lowered:
.L_overlay_start_1:
0x0: {  	(tag) =	ssettag $0x1  }
0x1: {  	s3 =	rddreg [dreg:$0x0]  }
0x2: {  	s4 =	rddreg [dreg:$0x1]  }
0x3: {  	s5 =	rddreg [dreg:$0x2]  }
0x4: {  	s0 =	rddreg [dreg:$0x3]  }
0x5: {  	s2 =	simm.s32 $0x0;
	s1 =	stileid.u32;
	s6 =	srdreg.scid  }
0x6: {  	s10 =	simm.s32 $0x0;
	[smem:$0x7FF] =	sst s2;
	s7 =	sshll.u32 s1, $0x4  }
0x7: {  	s6 =	sand.u32 $0x1, s6;
	_ =	strace $0x80000047;
	s7 =	sand.u32 $0x70, s7  }
0x8: {  	s8 =	sshll.u32 s6, $0x4;
	s6 =	ssub.s32 $0x2, s6;
	s5 =	sadd.s32 s7, s5  }
0x9: {  	s29 =	sor.u32 s1, s8;
	s30 =	sshrl.u32 s6, $0x1;
	s8 =	simm.s32 $0x4000  }
0xa: {  	s9 =	sshll.u32 s29, $0xB;
	s7 =	sshll.u32 s29, $0x4;
	s6 =	ssub.s32 s6, s30  }
0xb: {  	s31 =	sor.u32 $0x70000, s9;
	s7 =	sand.u32 $0x180, s7;
	s6 =	smax.u32 s6, $0x1  }
0xc: {  	s9 =	simm.s32 $0x8000;
	s3 =	sadd.s32 s3, s31;
	s5 =	sadd.s32 s7, s5  }
0xd: {  	v0 =	vimm.f32 $0.0e+00;
	s4 =	sadd.s32 s4, s31;
	s7 =	simm.s32 $0x1;
	s5 =	sadd.s32 $0x800, s5  }
.LBB2_1:
0xe: {  	[tilespmem:s2], [sflag:$0x1] =	stream.linear.gather [hbm4b:s3+s2], $0x4000, $0x38;
	[tilespmem:$0x8080] =	vst v63  }
0xf: {  	_ =	swait.ge [sflag:s7], $0x4000  }
0x10: {  	[sflag:s7] =	ssyncset.done $0x0  }
0x11: {  	s11 =	sand.u32 $0x3000, s2;
	s12 =	sand.u32 $0xC00, s2;
	[sflag:s7] =	ssyncadd.s32 $0xFFFFC000  }
0x12: {  	[tilespmem:s8], [sflag:$0x1] =	stream.linear.gather [hbm4b:s4+s2], $0x4000, $0x38;
	[tilespmem:$0x8080] =	vst v63  }
0x13: {  	s13 =	sand.u32 $0x380, s2;
	s11 =	sor.u32 s12, s11;
	_ =	swait.ge [sflag:s7], $0x4000  }
0x14: {  	s28 =	sand.u32 $0x70, s2;
	s11 =	sor.u32 s13, s11;
	[sflag:s7] =	ssyncset.done $0x0  }
0x15: {  	s11 =	sor.u32 s28, s11;
	[sflag:s7] =	ssyncadd.s32 $0xFFFFC000  }
0x16: {  	s29 =	simm.s32 $0x10;
	s30 =	simm.s32 $0x80;
	v2 =	vld [tilespmem:s11+$0x4000]  }
0x17: {  	s31 =	simm.s32 $0x4;
	s14 =	sand.u32 $0x3000, s29;
	v3 =	vld [tilespmem:s11+$0x0];
	s11 =	sand.u32 $0xC00, s30  }
0x18: {  	s13 =	sand.u32 $0x380, s31;
	s11 =	sor.u32 s11, s14  }
0x19: {  	s12 =	sand.u32 $0x70, s29;
	s11 =	sor.u32 s13, s11  }
0x1a: {  	s12 =	sor.u32 s12, s11  }
0x1b: {  	v4 =	vimm.f32 $0.0e+00;
	v5 =	vimm.f32 $0.0e+00;
	v1 =	vld [tilespmem:s12+$0x0];
	vm0 =	vgt.f32 v2, $1.000000000e+00  }
0x1c: {  	s13 =	simm.s32 $0x100;
	s11 =	simm.s32 $0x20;
	v6 =	vsub.f32 v3, v2;
	v2 =	vld [tilespmem:s12+$0x4000];
	s12 =	simm.s32 $0x8;
	v3 =	vimm.f32 $0.0e+00;
	v7 =	vsel vm0, $0x3F800000, v0  }
.LBB2_2:
0x1d: {  	s14 =	sand.u32 $0x3000, s11;
	s15 =	sand.u32 $0xC00, s13  }
0x1e: {  	s16 =	sand.u32 $0x380, s12;
	v4 =	vadd.f32 v6, v4;
	v6 =	vmul.f32 v6, v6;
	v3 =	vadd.f32 v7, v3;
	s17 =	smov.u32 s11;
	p0 =	sne.s32 s11, $0x3FF0  }
.Ltmp0:
0x1f: {  	s11 =	sadd.s32 $0x10, s11;
	s14 =	sor.u32 s15, s14;
	(pc) =	sbr.rel @p0 .LBB2_2-.Ltmp0, $4  }
0x20: {  	s15 =	sand.u32 $0x70, s17;
	s14 =	sor.u32 s16, s14;
	v5 =	vadd.f32 v6, v5  }
0x21: {  	s14 =	sor.u32 s15, s14  }
0x22: {  	vm0 =	vgt.f32 v2, $1.000000000e+00;
	v6 =	vsub.f32 v1, v2;
	v1 =	vld [tilespmem:s14+$0x0]  }
0x23: {  	s12 =	sadd.s32 $0x4, s12;
	s13 =	sadd.s32 $0x80, s13;
	v2 =	vld [tilespmem:s14+$0x4000];
	v7 =	vsel vm0, $0x3F800000, v0  }
0x24: {  	_ =	sdelay $0x2  }
0x25: {  	v8 =	vmul.f32 v6, v6  }
0x26: {  	v4 =	vadd.f32 v6, v4;
	v1 =	vsub.f32 v1, v2  }
0x27: {  	v3 =	vadd.f32 v7, v3;
	v5 =	vadd.f32 v8, v5;
	vm0 =	vgt.f32 v2, $1.000000000e+00  }
0x28: {  	v2 =	vsel vm0, $0x3F800000, v0;
	v62 =	vmul.f32 v1, v1;
	v1 =	vadd.f32 v1, v4  }
0x29: {  	v2 =	vadd.f32 v2, v3  }
0x2a: {  	s10 =	sadd.s32 $0x1, s10;
	v63 =	vadd.f32 v62, v5;
	[tilespmem:$0x8000] =	vst v1  }
0x2b: {  	p0 =	sne.s32 s10, s6;
	[tilespmem:$0x8020] =	vst v2  }
.Ltmp1:
0x2c: {  	[tilespmem:$0x8010] =	vst v63;
	(pc) =	sbr.rel @p0 .LBB2_1-.Ltmp1, $4  }
0x2d: {  	[hbm4b:s5+s2] =	stream.linear.scatter [tilespmem:s9], [sflag:$0x1], $0x80, $0x38;
	[tilespmem:$0x8080] =	vst v63  }
0x2e: {  	_ =	swait.ge [sflag:s7], $0x80  }
0x2f: {  	[sflag:s7] =	ssyncset.done $0x0  }
0x30: {  	[sflag:s7] =	ssyncadd.s32 $0xFFFFFF80  }
0x31: {  	_ =	sfence.sel $0x180000  }
0x32: {  	[bflag:$0x0] =	sbarrier.arrive $0xFFFF  }
0x33: {  	p0 =	sne.s32 s1, $0x0;
	_ =	strace $0x90000047  }
0x34: {  	s0 =	sadd.s32 @!p0 $0x100000, s0;
	[bflag:$0x2] =	sbarrier.arrive $0xFFFF  }
0x35: {  	[sflag:s0] =	ssyncadd.tile.s32 @!p0 $0x1;
	_ =	shalt  }
.Lfunc_end2:
_tile_overlayer_lowered:
.L_overlay_start_2:
0x36: {  	(tag) =	ssettag $0x2  }
0x37: {  	s0 =	rddreg [dreg:$0x0];
	s2 =	stileid.u32  }
0x38: {  	s1 =	rddreg [dreg:$0x1];
	p0 =	sne.s32 s2, $0x0  }
0x39: {  	s3 =	rddreg [dreg:$0x2];
	[bflag:$0x3] =	sbarrier.arrive $0xFFFF;
	s2 =	simm.s32 @!p0 $0x1C01  }
0x3a: {  	[timem:s3], [sflag:s2] =	dma.local @!p0 [hbm:s0], s1  }
0x3b: {  	s0 =	simm.s32 @!p0 $0x1  }
0x3c: {  	_ =	swait.ge @!p0 [sflag:s0], s1  }
0x3d: {  	s1 =	ssub.s32 @!p0 $0x0, s1;
	[sflag:s0] =	ssyncset.done @!p0 $0x0  }
0x3e: {  	[sflag:s0] =	ssyncadd.s32 @!p0 s1  }
0x3f: {  	[bflag:$0x3] =	sbarrier.arrive $0xFFFF  }
0x40: {  	_ =	shalt  }

</sc_bundles>
